<compile_context>
chip_gen: v7x
topology: tpu7x:2x2x1
jax: 0.10.2.dev20260603
libtpu: 0.0.44.dev20260713+nightly
codegen_flags: <defaults>
</compile_context>

<pallas_src>
import functools

import jax
import jax.numpy as jnp
from jax import lax
from jax.experimental import pallas as pl
from jax.experimental.pallas import tpu as pltpu
from jax.experimental.pallas import tpu_sc as plsc

_N = 16384
_C = 1000
_BLK = 2048
_NW = 32
_YPW = _N // _NW


def _sc_hist_body(y_hbm, hist_hbm, yh_v, ones_v, zeros_v, hist_sh):
    cid = lax.axis_index("c")
    sid = lax.axis_index("s")
    wid = sid * 2 + cid

    ones16i = jnp.ones((16,), jnp.int32)
    pltpu.sync_copy(y_hbm.at[pl.ds(wid * _YPW, _YPW)], yh_v)

    def _init(i, _):
        ones_v[pl.ds(i * 16, 16)] = ones16i
        return 0
    lax.fori_loop(0, _YPW // 16, _init, 0)

    def _zero(i, _):
        zeros_v[pl.ds(i * 16, 16)] = jnp.zeros((16,), jnp.int32)
        return 0
    lax.fori_loop(0, 1024 // 16, _zero, 0)

    @pl.when(sid == 0)
    def _():
        pltpu.sync_copy(zeros_v, hist_sh)
    plsc.subcore_barrier()
    pltpu.sync_copy(ones_v, hist_sh.at[yh_v], add=True)
    plsc.subcore_barrier()

    @pl.when(sid == 0)
    def _():
        pltpu.sync_copy(hist_sh, hist_hbm.at[pl.ds(cid * 1024, 1024)])


_sc_hist = functools.partial(
    pl.kernel,
    out_type=[jax.ShapeDtypeStruct((2 * 1024,), jnp.int32)],
    mesh=plsc.VectorSubcoreMesh(core_axis_name="c", subcore_axis_name="s"),
    scratch_types=[
        pltpu.VMEM((_YPW,), jnp.int32),
        pltpu.VMEM((_YPW,), jnp.int32),
        pltpu.VMEM((1024,), jnp.int32),
        pltpu.VMEM_SHARED((1024,), jnp.int32),
    ],
)(_sc_hist_body)


def _tc1_body(out_ref, y_ref, acc_ref):
    i = pl.program_id(0)
    C, blk = out_ref.shape

    @pl.when(i == 0)
    def _init():
        acc_ref[0, 0] = jnp.float32(0.0)

    x = out_ref[...]
    yv = y_ref[0, ...]
    row = lax.broadcasted_iota(jnp.int32, (C, blk), 0)
    onehot = row == yv
    s = jnp.sum(x, axis=0, keepdims=True)
    picked = jnp.sum(jnp.where(onehot, x, 0.0), axis=0, keepdims=True)
    acc_ref[0, 0] += jnp.sum(jnp.log(s) - jnp.log(picked))


def _combine_body(hist_ref, acc_ref, loss_ref):
    hist = hist_ref[...].reshape(2, 8, 128).astype(jnp.float32)
    cnt = jnp.sum(hist, axis=0)
    cterm = jnp.sum(cnt * jnp.log(jnp.maximum(cnt, 1.0)))
    nf = jnp.float32(_N)
    loss_ref[0, 0] = jnp.log(nf) + (acc_ref[0, 0] - cterm) / nf


@jax.jit
def _arb_loss(output, y):
    y = y.astype(jnp.int32)
    (hist,) = _sc_hist(y)
    acc = pl.pallas_call(
        _tc1_body,
        grid=(_N // _BLK,),
        in_specs=[
            pl.BlockSpec((_C, _BLK), lambda i: (0, i)),
            pl.BlockSpec((1, 1, _BLK), lambda i: (i, 0, 0)),
        ],
        out_specs=pl.BlockSpec(memory_space=pltpu.SMEM),
        out_shape=jax.ShapeDtypeStruct((1, 1), jnp.float32),
        compiler_params=pltpu.CompilerParams(
            dimension_semantics=("arbitrary",),
        ),
    )(output.T, y.reshape(_N // _BLK, 1, _BLK))
    out = pl.pallas_call(
        _combine_body,
        out_specs=pl.BlockSpec(memory_space=pltpu.SMEM),
        out_shape=jax.ShapeDtypeStruct((1, 1), jnp.float32),
        in_specs=[
            pl.BlockSpec((16, 128), lambda: (0, 0)),
            pl.BlockSpec(memory_space=pltpu.SMEM),
        ],
    )(hist.reshape(16, 128), acc)
    return out.reshape(())


def kernel(output, y):
    return _arb_loss(output, y)

# --- scband reference (transcript-rebuilt; emitter-appended) ---
"""Pipeline reference for scband-arbloss-79439715106888 (READ-ONLY COPY).

The authoritative reference and input builder live on the scoring server;
editing this copy changes nothing except your own understanding.
"""

import jax, jax.numpy as jnp
import numpy as np

N = 16384
C = 1000

def setup_inputs(seed: int = 0) -> dict:
    key = jax.random.key(seed)
    k1, k2 = jax.random.split(key)
    # output must be positive (log is taken); fill=rand per spec
    output = jax.random.uniform(k1, (N, C), dtype=jnp.float32, minval=1e-4, maxval=1.0)
    y = jax.random.randint(k2, (N,), 0, C)
    return {"output": output, "y": y}

def reference(output, y):
    n, Cc = output.shape
    # class_data_num[l] = number of samples with label l, for l in 0..max(y)
    counts = jnp.bincount(y, length=Cc)
    # w[i] = count of class y[i] (torch code stores into int tensor, values are exact ints)
    w = counts[y].astype(output.dtype)  # [n]
    w2 = w[:, None]  # expand to [n, C] implicitly via broadcast
    tmp = (n / w2) * output  # [n, C]
    logit = output / jnp.sum(tmp, axis=1, keepdims=True)
    log_logit = jnp.log(logit)
    # NLLLoss(reduction='mean'): -mean(log_logit[i, y[i]])
    picked = jnp.take_along_axis(log_logit, y[:, None], axis=1)[:, 0]
    loss = -jnp.mean(picked)
    return loss

if __name__ == "__main__":
    import jax
    _d = setup_inputs()
    print(jax.jit(kernel)(*tuple(_d.values())))

</pallas_src>

<mosaic_0001>
#map = affine_map<(d0, d1) -> (0)>
module attributes {stable_mosaic.version = 14 : i64} {
  func.func @_sc_hist_body(%arg0: i32, %arg1: i32, %arg2: memref<16384xi32, #tpu.memory_space<hbm>>, %arg3: memref<2048xi32, #tpu.memory_space<hbm>>, %arg4: memref<512xi32, #tpu.memory_space<vmem>>, %arg5: memref<512xi32, #tpu.memory_space<vmem>>, %arg6: memref<1024xi32, #tpu.memory_space<vmem>>, %arg7: memref<1024xi32, #tpu.memory_space<vmem_shared>>) attributes {dimension_semantics = [#tpu.dimension_semantics<core_parallel>, #tpu.dimension_semantics<subcore_parallel>], iteration_bounds = array<i64: 2, 16>, scalar_prefetch = 0 : i64, scratch_operands = 4 : i64, tpu.core_type = #tpu.core_type<sc_vector_subcore>, window_params = [{transform_indices = #map}, {transform_indices = #map}]} {
    %mul3A = arith.constant 2 : i32
    %mul3A_0 = arith.muli %arg1, %mul3A : i32
    %add3A = arith.addi %mul3A_0, %arg0 : i32
    %broadcast_in_dim3A = arith.constant 1 : i32
    %broadcast_in_dim3A_1 = vector.broadcast %broadcast_in_dim3A : i32 to vector<16xi32>
    %mul3A_2 = arith.constant 512 : i32
    %mul3A_3 = arith.muli %add3A, %mul3A_2 : i32
    "tpu.region"() ({
      %run_scoped3A = tpu.sem_alloc : memref<!tpu.dma_semaphore, #tpu.memory_space<semaphore_mem>>
      %dma_start3A = tpu.memref_slice %arg2[%mul3A_3] : memref<16384xi32, #tpu.memory_space<hbm>> -> memref<512xi32, #tpu.memory_space<hbm>>
      %dma_start3A_25 = tpu.memref_slice %arg2[%mul3A_3] : memref<16384xi32, #tpu.memory_space<hbm>> -> memref<512xi32, #tpu.memory_space<hbm>>
      tpu.enqueue_dma source(%dma_start3A_25 : memref<512xi32, #tpu.memory_space<hbm>>) target(%arg4 : memref<512xi32, #tpu.memory_space<vmem>>) target_semaphore(%run_scoped3A : memref<!tpu.dma_semaphore, #tpu.memory_space<semaphore_mem>>)
      %dma_wait3A = tpu.memref_slice %arg2[%mul3A_3] : memref<16384xi32, #tpu.memory_space<hbm>> -> memref<512xi32, #tpu.memory_space<hbm>>
      %dma_wait3A_26 = tpu.memref_slice %arg2[%mul3A_3] : memref<16384xi32, #tpu.memory_space<hbm>> -> memref<512xi32, #tpu.memory_space<hbm>>
      tpu.wait_dma2 semaphore(%run_scoped3A : memref<!tpu.dma_semaphore, #tpu.memory_space<semaphore_mem>>) src(%dma_wait3A_26 : memref<512xi32, #tpu.memory_space<hbm>>) dst(%arg4 : memref<512xi32, #tpu.memory_space<vmem>>)
      tpu.yield
    }) : () -> ()
    %scan3A = arith.constant 0 : i32
    %scan3A_4 = arith.constant 0 : i32
    %scan3A_5 = arith.constant 32 : i32
    %scan3A_6 = arith.addi %scan3A_4, %scan3A_5 : i32
    %scan3A_7 = arith.constant 1 : i32
    %scan3A_8 = scf.for %scan3A_25 = %scan3A_4 to %scan3A_6 step %scan3A_7 iter_args(%scan3A_26 = %scan3A) -> (i32)  : i32 {
      %mul3A_27 = arith.constant 16 : i32
      %mul3A_28 = arith.muli %scan3A_25, %mul3A_27 : i32
      %swap3A = arith.index_cast %mul3A_28 : i32 to index
      %swap3A_29 = tpu.vector_load %arg5[%swap3A] {strides = array<i32>} : memref<512xi32, #tpu.memory_space<vmem>>, vector<16xi32>,
      %swap3A_30 = vector.shape_cast %swap3A_29 : vector<16xi32> to vector<16xi32>
      %swap3A_31 = vector.shape_cast %broadcast_in_dim3A_1 : vector<16xi32> to vector<16xi32>
      tpu.vector_store %arg5[%swap3A], %swap3A_31 {strides = array<i32>} : memref<512xi32, #tpu.memory_space<vmem>>, vector<16xi32>,
      %scan3A_32 = arith.constant 0 : i32
      scf.yield %scan3A_32 : i32
    }
    %scan3A_9 = arith.constant 32 : i32
    %scan3A_10 = arith.constant 0 : i32
    %scan3A_11 = arith.constant 0 : i32
    %scan3A_12 = arith.constant 64 : i32
    %scan3A_13 = arith.addi %scan3A_11, %scan3A_12 : i32
    %scan3A_14 = arith.constant 1 : i32
    %scan3A_15 = scf.for %scan3A_25 = %scan3A_11 to %scan3A_13 step %scan3A_14 iter_args(%scan3A_26 = %scan3A_10) -> (i32)  : i32 {
      %broadcast_in_dim3A_27 = arith.constant 0 : i32
      %broadcast_in_dim3A_28 = vector.broadcast %broadcast_in_dim3A_27 : i32 to vector<16xi32>
      %mul3A_29 = arith.constant 16 : i32
      %mul3A_30 = arith.muli %scan3A_25, %mul3A_29 : i32
      %swap3A = arith.index_cast %mul3A_30 : i32 to index
      %swap3A_31 = tpu.vector_load %arg6[%swap3A] {strides = array<i32>} : memref<1024xi32, #tpu.memory_space<vmem>>, vector<16xi32>,
      %swap3A_32 = vector.shape_cast %swap3A_31 : vector<16xi32> to vector<16xi32>
      %swap3A_33 = vector.shape_cast %broadcast_in_dim3A_28 : vector<16xi32> to vector<16xi32>
      tpu.vector_store %arg6[%swap3A], %swap3A_33 {strides = array<i32>} : memref<1024xi32, #tpu.memory_space<vmem>>, vector<16xi32>,
      %scan3A_34 = arith.constant 0 : i32
      scf.yield %scan3A_34 : i32
    }
    %scan3A_16 = arith.constant 64 : i32
    %eq3A = arith.constant 0 : i32
    %eq3A_17 = arith.cmpi eq, %arg1, %eq3A : i32
    %convert_element_type3A = arith.extui %eq3A_17 : i1 to i32
    %cond3A = arith.constant 0 : i32
    %cond3A_18 = arith.cmpi ne, %convert_element_type3A, %cond3A : i32
    scf.if %cond3A_18 {
      "tpu.region"() ({
        %run_scoped3A = tpu.sem_alloc : memref<!tpu.dma_semaphore, #tpu.memory_space<semaphore_mem>>
        tpu.enqueue_dma source(%arg6 : memref<1024xi32, #tpu.memory_space<vmem>>) target(%arg7 : memref<1024xi32, #tpu.memory_space<vmem_shared>>) target_semaphore(%run_scoped3A : memref<!tpu.dma_semaphore, #tpu.memory_space<semaphore_mem>>)
        tpu.wait_dma2 semaphore(%run_scoped3A : memref<!tpu.dma_semaphore, #tpu.memory_space<semaphore_mem>>) src(%arg6 : memref<1024xi32, #tpu.memory_space<vmem>>) dst(%arg7 : memref<1024xi32, #tpu.memory_space<vmem_shared>>)
        tpu.yield
      }) : () -> ()
    } else {
    }
    %barrier3A = arith.constant 0 : index
    tpu.barrier barrier_id(%barrier3A)
    "tpu.region"() ({
      %run_scoped3A = tpu.sem_alloc : memref<!tpu.dma_semaphore, #tpu.memory_space<semaphore_mem>>
      %dma_start3A = arith.constant 0 : i32
      %dma_start3A_25 = tpu.memref_slice %arg7[%dma_start3A] : memref<1024xi32, #tpu.memory_space<vmem_shared>> -> memref<1024xi32, #tpu.memory_space<vmem_shared>>
      tpu.enqueue_indirect_dma source(%arg5 : memref<512xi32, #tpu.memory_space<vmem>>) target(%dma_start3A_25 : memref<1024xi32, #tpu.memory_space<vmem_shared>>) offsets(%arg4 : memref<512xi32, #tpu.memory_space<vmem>>) semaphore(%run_scoped3A : memref<!tpu.dma_semaphore, #tpu.memory_space<semaphore_mem>>) {add = true}
      %dma_wait3A = arith.constant 0 : i32
      %dma_wait3A_26 = tpu.memref_slice %arg7[%dma_wait3A] : memref<1024xi32, #tpu.memory_space<vmem_shared>> -> memref<1024xi32, #tpu.memory_space<vmem_shared>>
      tpu.wait_indirect_dma semaphore(%run_scoped3A : memref<!tpu.dma_semaphore, #tpu.memory_space<semaphore_mem>>) src(%arg5 : memref<512xi32, #tpu.memory_space<vmem>>) dst(%dma_wait3A_26 : memref<1024xi32, #tpu.memory_space<vmem_shared>>)
      tpu.yield
    }) : () -> ()
    %barrier3A_19 = arith.constant 0 : index
    tpu.barrier barrier_id(%barrier3A_19)
    %eq3A_20 = arith.constant 0 : i32
    %eq3A_21 = arith.cmpi eq, %arg1, %eq3A_20 : i32
    %convert_element_type3A_22 = arith.extui %eq3A_21 : i1 to i32
    %cond3A_23 = arith.constant 0 : i32
    %cond3A_24 = arith.cmpi ne, %convert_element_type3A_22, %cond3A_23 : i32
    scf.if %cond3A_24 {
      %mul3A_25 = arith.constant 1024 : i32
      %mul3A_26 = arith.muli %arg0, %mul3A_25 : i32
      "tpu.region"() ({
        %run_scoped3A = tpu.sem_alloc : memref<!tpu.dma_semaphore, #tpu.memory_space<semaphore_mem>>
        %dma_start3A = tpu.memref_slice %arg3[%mul3A_26] : memref<2048xi32, #tpu.memory_space<hbm>> -> memref<1024xi32, #tpu.memory_space<hbm>>
        tpu.enqueue_dma source(%arg7 : memref<1024xi32, #tpu.memory_space<vmem_shared>>) target(%dma_start3A : memref<1024xi32, #tpu.memory_space<hbm>>) target_semaphore(%run_scoped3A : memref<!tpu.dma_semaphore, #tpu.memory_space<semaphore_mem>>)
        %dma_wait3A = tpu.memref_slice %arg3[%mul3A_26] : memref<2048xi32, #tpu.memory_space<hbm>> -> memref<1024xi32, #tpu.memory_space<hbm>>
        tpu.wait_dma2 semaphore(%run_scoped3A : memref<!tpu.dma_semaphore, #tpu.memory_space<semaphore_mem>>) src(%arg7 : memref<1024xi32, #tpu.memory_space<vmem_shared>>) dst(%dma_wait3A : memref<1024xi32, #tpu.memory_space<hbm>>)
        tpu.yield
      }) : () -> ()
    } else {
    }
    return
  }
}

module attributes {stable_mosaic.version = 14 : i64} {
  func.func @_combine_body(%arg0: memref<16x128xi32, #tpu.memory_space<vmem>>, %arg1: memref<1x1xf32, #tpu.memory_space<smem>>, %arg2: memref<1x1xf32, #tpu.memory_space<smem>>) attributes {dimension_semantics = [], scalar_prefetch = 0 : i64, scratch_operands = 0 : i64, tpu.core_type = #tpu.core_type<tc>} {
    %get3A = arith.constant 0 : index
    %get3A_0 = arith.constant 0 : index
    %get3A_1 = vector.load %arg0[%get3A, %get3A_0] : memref<16x128xi32, #tpu.memory_space<vmem>>, vector<16x128xi32>
    %reshape3A = vector.shape_cast %get3A_1 : vector<16x128xi32> to vector<2x8x128xi32>
    %convert_element_type3A = arith.sitofp %reshape3A : vector<2x8x128xi32> to vector<2x8x128xf32>
    %reduce_sum3A = arith.constant dense<0.000000e+00> : vector<8x128xf32>
    %reduce_sum3A_2 = vector.multi_reduction <add>, %convert_element_type3A, %reduce_sum3A [0] : vector<2x8x128xf32> to vector<8x128xf32>
    %max3A = arith.constant 1.000000e+00 : f32
    %max3A_3 = vector.broadcast %max3A : f32 to vector<8x128xf32>
    %max3A_4 = arith.maximumf %reduce_sum3A_2, %max3A_3 : vector<8x128xf32>
    %log3A = math.log %max3A_4 : vector<8x128xf32>
    %mul3A = arith.mulf %reduce_sum3A_2, %log3A : vector<8x128xf32>
    %reduce_sum3A_5 = vector.shape_cast %mul3A : vector<8x128xf32> to vector<1x8x128xf32>
    %reduce_sum3A_6 = arith.constant dense<0.000000e+00> : vector<1xf32>
    %reduce_sum3A_7 = vector.multi_reduction <add>, %reduce_sum3A_5, %reduce_sum3A_6 [1, 2] : vector<1x8x128xf32> to vector<1xf32>
    %reduce_sum3A_8 = vector.shape_cast %reduce_sum3A_7 : vector<1xf32> to vector<1x1x1xf32>
    %reduce_sum3A_9 = vector.extract %reduce_sum3A_8[0, 0, 0] : f32 from vector<1x1x1xf32>
    %log3A_10 = arith.constant 1.638400e+04 : f32
    %log3A_11 = math.log %log3A_10 : f32
    %get3A_12 = arith.constant 0 : index
    %get3A_13 = arith.constant 0 : index
    %get3A_14 = memref.load %arg1[%get3A_12, %get3A_13] : memref<1x1xf32, #tpu.memory_space<smem>>
    %sub3A = arith.subf %get3A_14, %reduce_sum3A_9 : f32
    %div3A = arith.constant 1.638400e+04 : f32
    %div3A_15 = arith.divf %sub3A, %div3A : f32
    %add3A = arith.addf %log3A_11, %div3A_15 : f32
    %swap3A = arith.constant 0 : index
    %swap3A_16 = arith.constant 0 : index
    %swap3A_17 = memref.load %arg2[%swap3A, %swap3A_16] : memref<1x1xf32, #tpu.memory_space<smem>>
    memref.store %add3A, %arg2[%swap3A, %swap3A_16] : memref<1x1xf32, #tpu.memory_space<smem>>
    return
  }
}

module attributes {stable_mosaic.version = 14 : i64} {
  func.func @_tc1_body(%arg0: i32, %arg1: memref<1000x2048xf32, #tpu.memory_space<vmem>>, %arg2: memref<1x1x2048xi32, #tpu.memory_space<vmem>>, %arg3: memref<1x1xf32, #tpu.memory_space<smem>>) attributes {dimension_semantics = [#tpu.dimension_semantics<arbitrary>], iteration_bounds = array<i64: 8>, scalar_prefetch = 0 : i64, scratch_operands = 0 : i64, tpu.core_type = #tpu.core_type<tc>, window_params = [{transform_indices = @transform_0, window_bounds = array<i64: 1000, 2048>}, {transform_indices = @transform_1, window_bounds = array<i64: 1, 1, 2048>}, {transform_indices = @transform_2, window_bounds = array<i64: 1, 1>}]} {
    %eq3A = arith.constant 0 : i32
    %eq3A_0 = arith.cmpi eq, %arg0, %eq3A : i32
    %convert_element_type3A = arith.extui %eq3A_0 : i1 to i32
    %cond3A = arith.constant 0 : i32
    %cond3A_1 = arith.cmpi ne, %convert_element_type3A, %cond3A : i32
    scf.if %cond3A_1 {
      %swap3A_27 = arith.constant 0.000000e+00 : f32
      %swap3A_28 = arith.constant 0 : index
      %swap3A_29 = arith.constant 0 : index
      %swap3A_30 = memref.load %arg3[%swap3A_28, %swap3A_29] : memref<1x1xf32, #tpu.memory_space<smem>>
      memref.store %swap3A_27, %arg3[%swap3A_28, %swap3A_29] : memref<1x1xf32, #tpu.memory_space<smem>>
    } else {
    }
    %get3A = arith.constant 0 : index
    %get3A_2 = arith.constant 0 : index
    %get3A_3 = vector.load %arg1[%get3A, %get3A_2] : memref<1000x2048xf32, #tpu.memory_space<vmem>>, vector<1000x2048xf32>
    %get3A_4 = arith.constant 0 : index
    %get3A_5 = arith.constant 0 : index
    %get3A_6 = arith.constant 0 : index
    %get3A_7 = vector.load %arg2[%get3A_4, %get3A_5, %get3A_6] : memref<1x1x2048xi32, #tpu.memory_space<vmem>>, vector<1x1x2048xi32>
    %get3A_8 = vector.shape_cast %get3A_7 : vector<1x1x2048xi32> to vector<1x2048xi32>
    %iota3A = tpu.iota {dimensions = array<i32: 0>} : vector<1000x2048xi32>
    %eq3A_9 = vector.broadcast %get3A_8 : vector<1x2048xi32> to vector<1000x2048xi32>
    %eq3A_10 = arith.cmpi eq, %iota3A, %eq3A_9 : vector<1000x2048xi32>
    %reduce_sum3A = arith.constant dense<0.000000e+00> : vector<2048xf32>
    %reduce_sum3A_11 = vector.multi_reduction <add>, %get3A_3, %reduce_sum3A [0] : vector<1000x2048xf32> to vector<2048xf32>
    %broadcast_in_dim3A = vector.shape_cast %reduce_sum3A_11 : vector<2048xf32> to vector<1x2048xf32>
    %jit3A = arith.constant 0.000000e+00 : f32
    %broadcast_in_dim3A_12 = vector.broadcast %jit3A : f32 to vector<1000x2048xf32>
    %select_n3A = arith.select %eq3A_10, %get3A_3, %broadcast_in_dim3A_12 : vector<1000x2048xi1>, vector<1000x2048xf32>
    %reduce_sum3A_13 = arith.constant dense<0.000000e+00> : vector<2048xf32>
    %reduce_sum3A_14 = vector.multi_reduction <add>, %select_n3A, %reduce_sum3A_13 [0] : vector<1000x2048xf32> to vector<2048xf32>
    %broadcast_in_dim3A_15 = vector.shape_cast %reduce_sum3A_14 : vector<2048xf32> to vector<1x2048xf32>
    %get3A_16 = arith.constant 0 : index
    %get3A_17 = arith.constant 0 : index
    %get3A_18 = memref.load %arg3[%get3A_16, %get3A_17] : memref<1x1xf32, #tpu.memory_space<smem>>
    %log3A = math.log %broadcast_in_dim3A : vector<1x2048xf32>
    %log3A_19 = math.log %broadcast_in_dim3A_15 : vector<1x2048xf32>
    %sub3A = arith.subf %log3A, %log3A_19 : vector<1x2048xf32>
    %reduce_sum3A_20 = vector.shape_cast %sub3A : vector<1x2048xf32> to vector<1x1x2048xf32>
    %reduce_sum3A_21 = arith.constant dense<0.000000e+00> : vector<1xf32>
    %reduce_sum3A_22 = vector.multi_reduction <add>, %reduce_sum3A_20, %reduce_sum3A_21 [1, 2] : vector<1x1x2048xf32> to vector<1xf32>
    %reduce_sum3A_23 = vector.shape_cast %reduce_sum3A_22 : vector<1xf32> to vector<1x1x1xf32>
    %reduce_sum3A_24 = vector.extract %reduce_sum3A_23[0, 0, 0] : f32 from vector<1x1x1xf32>
    %add3A = arith.addf %get3A_18, %reduce_sum3A_24 : f32
    %swap3A = arith.constant 0 : index
    %swap3A_25 = arith.constant 0 : index
    %swap3A_26 = memref.load %arg3[%swap3A, %swap3A_25] : memref<1x1xf32, #tpu.memory_space<smem>>
    memref.store %add3A, %arg3[%swap3A, %swap3A_25] : memref<1x1xf32, #tpu.memory_space<smem>>
    return
  }
  func.func @transform_0(%arg0: i32) -> (i32, i32) {
    %c0_i32 = arith.constant 0 : i32
    %c0_i32_0 = arith.constant 0 : i32
    return %c0_i32, %arg0 : i32, i32
  }
  func.func @transform_1(%arg0: i32) -> (i32, i32, i32) {
    %c0_i32 = arith.constant 0 : i32
    %c0_i32_0 = arith.constant 0 : i32
    %c0_i32_1 = arith.constant 0 : i32
    return %arg0, %c0_i32, %c0_i32_0 : i32, i32, i32
  }
  func.func @transform_2(%arg0: i32) -> (i32, i32) {
    %c0_i32 = arith.constant 0 : i32
    %c0_i32_0 = arith.constant 0 : i32
    %c0_i32_1 = arith.constant 0 : i32
    return %c0_i32, %c0_i32_0 : i32, i32
  }
}

</mosaic_0001>

<sc_bundles>
// kernel: _arb_loss.5.cloned.1.call-start
scs
__scs_entry_jumppad:
0x0: {  	(pc) =	sbr.rel $0x88, $3  }
0x1: {  	(tag) =	ssettag $0x0;
	lr =	simm.s32 $0x1  }
0x2: {  	[smem:$0x3F9F] =	sst lr;
	_ =	strace $0xD0000000  }
0x3: {  	_ = 	snop  }
0x4: {  	_ = 	snop  }
0x5: {  	_ = 	snop  }
0x6: {  	_ = 	snop  }
0x7: {  	_ = 	snop  }
__scs_overlays_trampoline_lowered:
0x8: {  	[smem:$0x3FAE] =	sst s0  }
0x9: {  	[smem:$0x3FAF] =	sst s1  }
0xa: {  	[smem:$0x3FB0] =	sst s2  }
0xb: {  	[smem:$0x3FB1] =	sst s3  }
0xc: {  	[smem:$0x3FB2] =	sst s4  }
0xd: {  	[smem:$0x3FB3] =	sst s5  }
0xe: {  	[smem:$0x3FB4] =	sst s6  }
0xf: {  	[smem:$0x3FB5] =	sst s7  }
0x10: {  	[smem:$0x3FB6] =	sst s8  }
0x11: {  	[smem:$0x3FB7] =	sst s9;
	s0 =	simm.s32 @!p0 $0x0  }
0x12: {  	s1 =	sld [smem:$0x3F9D];
	s0 =	simm.s32 @p0 $0x1  }
0x13: {  	[smem:$0x3FB8] =	sst s0;
	s0 =	simm.s32 @!p1 $0x0  }
0x14: {  	s2 =	sld [smem:$0x3F9C];
	s0 =	simm.s32 @p1 $0x1  }
0x15: {  	[smem:$0x3FB9] =	sst s0;
	s0 =	simm.s32 @!p2 $0x0  }
0x16: {  	s3 =	sld [smem:$0x3FDB];
	s0 =	simm.s32 @p2 $0x1  }
0x17: {  	s4 =	simm.s32 $0x1BF5;
	[smem:$0x3FBB] =	sst s0  }
0x18: {  	s0 =	sld [smem:$0x3F9E];
	_ =	swait.ge [sflag:s4], $0x0  }
0x19: {  	s7 =	sld [smem:$0x3F9F]  }
0x1a: {  	s8 =	sadd.s32 $0xFFFFE003, lr  }
0x1b: {  	s9 =	sadd.s32 $0xFFFFFEF7, lr;
	s5 =	simm.s32 $0xFFFFFFFF;
	p2 =	slt.u32 s8, $0xFFFFF086  }
0x1c: {  	p1 =	slt.u32 s9, $0xF7A;
	s5 =	simm.s32 @!p2 $0x0  }
0x1d: {  	s5 =	simm.s32 @p1 $0x1;
	p0 =	seq.s32 s7, s2  }
0x1e: {  	s7 =	smul.u32 @!p0 $0xF7A, s2;
	p2 =	seq.s32 @!p0 s5, $0x0  }
0x1f: {  	s9 =	smul.u32 $0xF7A, s1;
	s8 =	simm.s32 @!p0 $0x1BF5;
	p2 =	por !p2, p0  }
0x20: {  	[sflag:s8] =	ssyncset.s32 @!p0 $0xFFFFF086;
	s6 =	sadd.s32 @!p0 s3, s7;
	s7 =	simm.s32 @!p0 $0x108  }
0x21: {  	s3 =	sadd.s32 s3, s9;
	s6 =	sadd.s32 @!p0 $0x88, s6;
	s7 =	simm.s32 @p2 $0x1082  }
0x22: {  	[simem:s7], [sflag:s8] =	dma.local @!p0 [hbm:s6], $0xF7A  }
0x23: {  	s9 =	sor.u32 $0xD0000000, s2;
	s6 =	simm.s32 $0x108;
	_ =	swait.ge @!p0 [sflag:s8], $0x0  }
0x24: {  	s3 =	sadd.s32 $0x88, s3;
	s6 =	simm.s32 @!p1 $0x1082;
	[sflag:s4] =	ssyncset.s32 $0xFFFFF086  }
0x25: {  	[simem:s6], [sflag:s4] =	dma.local [hbm:s3], $0xF7A  }
0x26: {  	[smem:$0x3F9F] =	sst s1;
	(tag) =	ssettag s2;
	_ =	strace s9  }
0x27: {  	s1 =	sld [smem:$0x3FAF]  }
0x28: {  	s2 =	sld [smem:$0x3FB0]  }
0x29: {  	s4 =	sld [smem:$0x3FB2]  }
0x2a: {  	p0 =	seq.s32 s5, $0x0;
	s5 =	sld [smem:$0x3FB3]  }
0x2b: {  	s6 =	sld [smem:$0x3FB4]  }
0x2c: {  	s7 =	sld [smem:$0x3FB5]  }
0x2d: {  	s3 =	simm.s32 $0x108;
	s8 =	sld [smem:$0x3FB6]  }
0x2e: {  	s3 =	simm.s32 @!p0 $0x1082;
	s9 =	sld [smem:$0x3FB7]  }
0x2f: {  	lr =	sadd.s32 s0, s3;
	s0 =	sld [smem:$0x3FAE]  }
0x30: {  	s3 =	sld [smem:$0x3FB1]  }
0x31: {  	[smem:$0x3FBA] =	sst s10  }
0x32: {  	s10 =	sld [smem:$0x3FB8];
	_ =	sdelay $0x3  }
0x33: {  	p0 =	seq.s32 s10, $0x1;
	s10 =	sld [smem:$0x3FBA];
	_ =	sdelay $0x3  }
0x34: {  	[smem:$0x3FBA] =	sst s10  }
0x35: {  	s10 =	sld [smem:$0x3FB9];
	_ =	sdelay $0x3  }
0x36: {  	p1 =	seq.s32 s10, $0x1;
	s10 =	sld [smem:$0x3FBA];
	_ =	sdelay $0x3  }
0x37: {  	[smem:$0x3FBA] =	sst s10  }
0x38: {  	s10 =	sld [smem:$0x3FBB]  }
0x39: {  	_ = 	snop;
	(pc) =	sbr.ind lr, $3  }
0x3a: {  	_ = 	snop  }
0x3b: {  	_ = 	snop  }
0x3c: {  	p2 =	seq.s32 s10, $0x1;
	s10 =	sld [smem:$0x3FBA]  }
0x3d: {  	_ =	shalt  }
0x3e: {  	_ =	shalt  }
0x3f: {  	_ =	shalt  }
0x40: {  	_ =	shalt  }
0x41: {  	_ =	shalt  }
0x42: {  	_ =	shalt  }
0x43: {  	_ =	shalt  }
0x44: {  	_ =	shalt  }
0x45: {  	_ =	shalt  }
0x46: {  	_ =	shalt  }
0x47: {  	_ =	shalt  }
0x48: {  	_ =	shalt  }
0x49: {  	_ =	shalt  }
0x4a: {  	_ =	shalt  }
0x4b: {  	_ =	shalt  }
0x4c: {  	_ =	shalt  }
0x4d: {  	_ =	shalt  }
0x4e: {  	_ =	shalt  }
0x4f: {  	_ =	shalt  }
0x50: {  	_ =	shalt  }
0x51: {  	_ =	shalt  }
0x52: {  	_ =	shalt  }
0x53: {  	_ =	shalt  }
0x54: {  	_ =	shalt  }
0x55: {  	_ =	shalt  }
0x56: {  	_ =	shalt  }
0x57: {  	_ =	shalt  }
0x58: {  	_ =	shalt  }
0x59: {  	_ =	shalt  }
0x5a: {  	_ =	shalt  }
0x5b: {  	_ =	shalt  }
0x5c: {  	_ =	shalt  }
0x5d: {  	_ =	shalt  }
0x5e: {  	_ =	shalt  }
0x5f: {  	_ =	shalt  }
0x60: {  	_ =	shalt  }
0x61: {  	_ =	shalt  }
0x62: {  	_ =	shalt  }
0x63: {  	_ =	shalt  }
0x64: {  	_ =	shalt  }
0x65: {  	_ =	shalt  }
0x66: {  	_ =	shalt  }
0x67: {  	_ =	shalt  }
0x68: {  	_ =	shalt  }
0x69: {  	_ =	shalt  }
0x6a: {  	_ =	shalt  }
0x6b: {  	_ =	shalt  }
0x6c: {  	_ =	shalt  }
0x6d: {  	_ =	shalt  }
0x6e: {  	_ =	shalt  }
0x6f: {  	_ =	shalt  }
0x70: {  	_ =	shalt  }
0x71: {  	_ =	shalt  }
0x72: {  	_ =	shalt  }
0x73: {  	_ =	shalt  }
0x74: {  	_ =	shalt  }
0x75: {  	_ =	shalt  }
0x76: {  	_ =	shalt  }
0x77: {  	_ =	shalt  }
0x78: {  	_ =	shalt  }
0x79: {  	_ =	shalt  }
0x7a: {  	_ =	shalt  }
0x7b: {  	_ =	shalt  }
0x7c: {  	_ =	shalt  }
0x7d: {  	_ =	shalt  }
0x7e: {  	_ =	shalt  }
0x7f: {  	_ =	shalt  }
0x80: {  	_ =	shalt  }
0x81: {  	_ =	shalt  }
0x82: {  	_ =	shalt  }
0x83: {  	_ =	shalt  }
0x84: {  	_ =	shalt  }
0x85: {  	_ =	shalt  }
0x86: {  	_ =	shalt  }
0x87: {  	_ =	shalt  }
.Lfunc_end0:
.L_simem_size_0:
called_computation_lowered:
.L_overlay_start_0:
0x88: {  	s2 =	sld [smem:$0x3FD9]  }
0x89: {  	s3 =	sld [smem:$0x3FFE];
	_ =	sdelay $0x1  }
0x8a: {  	s1 =	srdreg.scid  }
0x8b: {  	s0 =	sand.u32 $0x1, s1  }
0x8c: {  	s17 =	sshll.u32 s0, $0xA;
	s2 =	sadd.s32 s3, s2  }
0x8d: {  	s2 =	sadd.s32 s2, s17  }
0x8e: {  	[smem:$0x3FC6] =	sst s2  }
0x8f: {  	_ = 	snop  }
0x90: {  	s2 =	sld [smem:$0x3FC8];
	(tm) =	ssettm $0x1  }
0x91: {  	s18 =	sld [smem:$0x3FFB];
	_ =	sdelay $0x3  }
0x92: {  	_ =	strace s18  }
0x93: {  	s3 =	sld [smem:$0x3FFC];
	_ =	sdelay $0x3  }
0x94: {  	_ =	strace s3  }
0x95: {  	s3 =	sld [smem:$0x3FFD];
	_ =	sdelay $0x3  }
0x96: {  	_ =	strace s3  }
0x97: {  	_ =	strace $0x8FFFFFFF  }
0x98: {  	s19 =	sld [smem:$0x3FDB];
	_ =	sdelay $0x1  }
0x99: {  	s4 =	simm.s32 $_scs_section_size  }
0x9a: {  	s5 =	simm.s32 $_size__tile_overlayer_lowered;
	s6 =	simm.s32 $_tile_overlayer_lowered  }
0x9b: {  	s22 =	simm.s32 $0x1BFF;
	s21 =	sshll.u32 s6, $0x1;
	s3 =	sadd.s32 s4, s19  }
0x9c: {  	s7 =	simm.s32 $0x0;
	s20 =	sshll.u32 s5, $0x1;
	s5 =	sadd.s32 s21, s3  }
0x9d: {  	[timem:s7], [sflag:s22] =	dma.local [hbm:s5], s20  }
0x9e: {  	_ =	swait.ge [sflag:s22], s20  }
0x9f: {  	s4 =	ssub.s32 $0x0, s20;
	[sflag:s22] =	ssyncset.done $0x0  }
0xa0: {  	[sflag:s22] =	ssyncadd.s32 s4;
	_ =	sdelay $0x1  }
0xa1: {  	s23 =	simm.s32 $0x1B8B  }
0xa2: {  	_ =	swait.ge [sflag:s23], $0x1  }
0xa3: {  	[sflag:s23] =	ssyncset.done $0x0  }
0xa4: {  	s25 =	simm.s32 $0x1B8E;
	s24 =	sld [smem:$0x3FFE];
	[sflag:s23] =	ssyncadd.s32 $0xFFFFFFFF  }
0xa5: {  	s26 =	simm.s32 $execute0_lowered;
	[smem:$0x3FD2] =	sst s25  }
0xa6: {  	s5 =	sshll.u32 s26, $0x1;
	_ =	strace $0x80000046;
	[dreg:$0x1] =	wrdreg $0xFFFFFFFF  }
0xa7: {  	s28 =	simm.s32 $_size_execute0_lowered;
	s3 =	sadd.s32 s3, s5;
	[dreg:$0x0] =	wrdreg $0x0  }
0xa8: {  	s5 =	sshll.u32 s28, $0x1;
	[dreg:$0x2] =	wrdreg s3  }
0xa9: {  	[dreg:$0x3] =	wrdreg s5  }
0xaa: {  	[dreg:$0x4] =	wrdreg $0xC0  }
0xab: {  	_ =	task [dreg:s7], $0x5FFFF  }
0xac: {  	[dreg:$0x1] =	wrdreg $0xFFFFFFFF  }
0xad: {  	[dreg:$0x0] =	wrdreg $0x60  }
0xae: {  	[dreg:$0x2] =	wrdreg s2  }
0xaf: {  	[dreg:$0x3] =	wrdreg s24  }
0xb0: {  	[dreg:$0x4] =	wrdreg $0x8000  }
0xb1: {  	[dreg:$0x5] =	wrdreg $0x9  }
0xb2: {  	_ =	task.clear_ibuf [dreg:s7], $0x6FFFF;
	_ =	strace $0x90000046  }
0xb3: {  	s29 =	simm.s32 $0x9;
	_ =	strace $0x80000048  }
0xb4: {  	_ =	swait.ge [sflag:s29], $0x1  }
0xb5: {  	[sflag:s29] =	ssyncadd.s32 $0xFFFFFFFF  }
0xb6: {  	_ =	strace $0x90000048  }
0xb7: {  	_ =	sfence  }
0xb8: {  	s30 =	sld [smem:$0x0];
	_ =	sdelay $0x2  }
0xb9: {  	s31 =	sshll.u32 s1, $0xD;
	s1 =	sshrl.u32 s1, $0x2  }
0xba: {  	s3 =	sand.u32 $0x4000, s31;
	s1 =	sadd.s32 s1, s30  }
0xbb: {  	s0 =	sor.u32 s3, s0;
	s1 =	sshll.u32 s1, $0x11  }
0xbc: {  	s0 =	sor.u32 s1, s0  }
0xbd: {  	s0 =	sadd.s32 $0x8F2B, s0  }
0xbe: {  	[sflag:s0] =	ssyncadd.remote.s32 $0x1  }
0xbf: {  	_ =	sfence.sel $0xFFFF  }
0xc0: {  	[dreg:$0x0] =	wrdreg $0xFFFFFFFF;
	(pc) =	sbr.abs _section_cstart, $3  }
0xc1: {  	[dreg:$0x1] =	wrdreg $0xFFFFFFFF  }
0xc2: {  	_ =	task.clear_ibuf [dreg:s7], $0x2FFFF;
	_ =	strace $0x9FFFFFFF  }
0xc3: {  	(tm) =	ssettm $0x7FFFFFFF  }
tec
execute0_lowered:
.L_overlay_start_1:
0x0: {  	(tag) =	ssettag $0x1  }
0x1: {  	s3 =	rddreg [dreg:$0x0]  }
0x2: {  	s4 =	rddreg [dreg:$0x1]  }
0x3: {  	s0 =	srdreg.scid;
	s1 =	rddreg [dreg:$0x2];
	s2 =	simm.s32 $0x0  }
0x4: {  	s30 =	stileid.u32;
	s5 =	sand.u32 $0x1, s0;
	s0 =	rddreg [dreg:$0x3]  }
0x5: {  	[smem:$0x7FF] =	sst s2;
	s31 =	sshll.u32 s30, $0x7  }
0x6: {  	p0 =	sne.s32 s30, $0x0;
	s6 =	sshll.u32 s5, $0x7;
	s7 =	ssub.s32 $0x2, s5  }
0x7: {  	s5 =	sshll.u32 s5, $0x6;
	_ =	strace $0x80000047;
	s4 =	sadd.s32 s6, s4  }
0x8: {  	s8 =	sshrl.u32 s7, $0x1;
	s3 =	sadd.s32 s3, s5;
	s6 =	simm.s32 $0x1  }
0x9: {  	s7 =	ssub.s32 s7, s8;
	s3 =	sadd.s32 s31, s3;
	s4 =	sadd.s32 $0x800, s4  }
0xa: {  	v0 =	vimm.s32 $0x1;
	v1 =	vimm.s32 $0x0;
	s8 =	simm.s32 $0x0;
	s5 =	smax.u32 s7, $0x1;
	s7 =	sshrl.u32 @!p0 s1, $0x3  }
.LBB2_1:
0xb: {  	[tilespmem:s2], [sflag:$0x1] =	stream.linear.gather [hbm4b:s3+s2], $0x200, $0x38;
	[tilespmem:$0x840] =	vst v63  }
0xc: {  	_ =	swait.ge [sflag:s6], $0x200  }
0xd: {  	[sflag:s6] =	ssyncset.done $0x0  }
0xe: {  	[sflag:s6] =	ssyncadd.s32 $0xFFFFFE00  }
0xf: {  	[tilespmem:$0x200] =	vst v0  }
0x10: {  	[tilespmem:$0x210] =	vst v0  }
0x11: {  	[tilespmem:$0x220] =	vst v0  }
0x12: {  	[tilespmem:$0x230] =	vst v0  }
0x13: {  	[tilespmem:$0x240] =	vst v0  }
0x14: {  	[tilespmem:$0x250] =	vst v0  }
0x15: {  	[tilespmem:$0x260] =	vst v0  }
0x16: {  	[tilespmem:$0x270] =	vst v0  }
0x17: {  	[tilespmem:$0x280] =	vst v0  }
0x18: {  	[tilespmem:$0x290] =	vst v0  }
0x19: {  	[tilespmem:$0x2A0] =	vst v0  }
0x1a: {  	[tilespmem:$0x2B0] =	vst v0  }
0x1b: {  	[tilespmem:$0x2C0] =	vst v0  }
0x1c: {  	[tilespmem:$0x2D0] =	vst v0  }
0x1d: {  	[tilespmem:$0x2E0] =	vst v0  }
0x1e: {  	[tilespmem:$0x2F0] =	vst v0  }
0x1f: {  	[tilespmem:$0x300] =	vst v0  }
0x20: {  	[tilespmem:$0x310] =	vst v0  }
0x21: {  	[tilespmem:$0x320] =	vst v0  }
0x22: {  	[tilespmem:$0x330] =	vst v0  }
0x23: {  	[tilespmem:$0x340] =	vst v0  }
0x24: {  	[tilespmem:$0x350] =	vst v0  }
0x25: {  	[tilespmem:$0x360] =	vst v0  }
0x26: {  	[tilespmem:$0x370] =	vst v0  }
0x27: {  	[tilespmem:$0x380] =	vst v0  }
0x28: {  	[tilespmem:$0x390] =	vst v0  }
0x29: {  	[tilespmem:$0x3A0] =	vst v0  }
0x2a: {  	[tilespmem:$0x3B0] =	vst v0  }
0x2b: {  	[tilespmem:$0x3C0] =	vst v0  }
0x2c: {  	[tilespmem:$0x3D0] =	vst v0  }
0x2d: {  	[tilespmem:$0x3E0] =	vst v0  }
0x2e: {  	s9 =	simm.s32 $0x40;
	s10 =	simm.s32 $0x0;
	[tilespmem:$0x3F0] =	vst v0  }
.LBB2_2:
0x2f: {  	p1 =	sne.s32 s9, $0xFC0;
	[tilespmem:s10+$0x400] =	vst v1;
	s10 =	smov.u32 s9;
	s9 =	sadd.s32 $0x40, s9  }
.Ltmp0:
0x30: {  	(pc) =	sbr.rel @p1 .LBB2_2-.Ltmp0, $2  }
0x31: {  	_ =	sdelay $0x2  }
0x32: {  	s10 =	sshra.s32 s10, $0x2  }
0x33: {  	[tilespmem:s10+$0x400] =	vst v1  }
0x34: {  	s9 =	simm.s32 @p0 $0x0;
	s10 =	simm.s32 @p0 $0x200;
	[bflag:$0x0] =	sbarrier.arrive @p0 $0xFFFF  }
0x35: {  	[spmem:s1] =	stream.indirect.scatter.add.s32 @p0 [tilespmem:s10], [sflag:$0x1], $0x1, s9, s10, $0xb8;
	[tilespmem:$0x840] =	vst v63  }
0x36: {  	s9 =	simm.s32 @p0 $0x1  }
0x37: {  	_ =	swait.ge @p0 [sflag:s9], $0x200  }
0x38: {  	[sflag:s9] =	ssyncset.done @p0 $0x0  }
0x39: {  	[sflag:s9] =	ssyncadd.s32 @p0 $0xFFFFFE00  }
0x3a: {  	s9 =	simm.s32 @!p0 $0x400;
	[bflag:$0x0] =	sbarrier.arrive @p0 $0xFFFF  }
0x3b: {  	[spmem:s1] =	stream.linear.scatter @!p0 [tilespmem:s9], [sflag:$0x1], $0x400, $0x38;
	[tilespmem:$0x840] =	vst v63  }
0x3c: {  	s9 =	simm.s32 @!p0 $0x1  }
0x3d: {  	_ =	swait.ge @!p0 [sflag:s9], $0x400  }
0x3e: {  	[sflag:s9] =	ssyncset.done @!p0 $0x0  }
0x3f: {  	[sflag:s9] =	ssyncadd.s32 @!p0 $0xFFFFFC00  }
0x40: {  	s11 =	simm.s32 @!p0 $0x200;
	s10 =	simm.s32 @!p0 $0x0;
	[bflag:$0x0] =	sbarrier.arrive @!p0 $0xFFFF  }
0x41: {  	[spmem:s1] =	stream.indirect.scatter.add.s32 @!p0 [tilespmem:s11], [sflag:$0x1], $0x1, s10, s11, $0xb8;
	[tilespmem:$0x840] =	vst v63  }
0x42: {  	_ =	swait.ge @!p0 [sflag:s9], $0x200  }
0x43: {  	s8 =	sadd.s32 $0x1, s8;
	[sflag:s9] =	ssyncset.done @!p0 $0x0  }
0x44: {  	p1 =	sne.s32 s8, s5;
	[sflag:s9] =	ssyncadd.s32 @!p0 $0xFFFFFE00  }
.Ltmp1:
0x45: {  	s10 =	simm.s32 @!p0 $0x1C01;
	[bflag:$0x0] =	sbarrier.arrive @!p0 $0xFFFF;
	(pc) =	sbr.rel @p1 .LBB2_1-.Ltmp1, $4  }
0x46: {  	[hbm:s4], [sflag:s10] =	dma.local @!p0 [spmem:s7], $0x80  }
0x47: {  	_ =	swait.ge @!p0 [sflag:s9], $0x80  }
0x48: {  	[sflag:s9] =	ssyncset.done @!p0 $0x0  }
0x49: {  	[sflag:s9] =	ssyncadd.s32 @!p0 $0xFFFFFF80  }
0x4a: {  	_ =	sfence.sel $0x180000  }
0x4b: {  	[bflag:$0x0] =	sbarrier.arrive $0xFFFF  }
0x4c: {  	_ =	strace $0x90000047  }
0x4d: {  	s0 =	sadd.s32 @!p0 $0x100000, s0;
	[bflag:$0x2] =	sbarrier.arrive $0xFFFF  }
0x4e: {  	[sflag:s0] =	ssyncadd.tile.s32 @!p0 $0x1;
	_ =	shalt  }
.Lfunc_end2:
_tile_overlayer_lowered:
.L_overlay_start_2:
0x4f: {  	(tag) =	ssettag $0x2  }
0x50: {  	s0 =	rddreg [dreg:$0x0];
	s2 =	stileid.u32  }
0x51: {  	s1 =	rddreg [dreg:$0x1];
	p0 =	sne.s32 s2, $0x0  }
0x52: {  	s3 =	rddreg [dreg:$0x2];
	[bflag:$0x3] =	sbarrier.arrive $0xFFFF;
	s2 =	simm.s32 @!p0 $0x1C01  }
0x53: {  	[timem:s3], [sflag:s2] =	dma.local @!p0 [hbm:s0], s1  }
0x54: {  	s0 =	simm.s32 @!p0 $0x1  }
0x55: {  	_ =	swait.ge @!p0 [sflag:s0], s1  }
0x56: {  	s1 =	ssub.s32 @!p0 $0x0, s1;
	[sflag:s0] =	ssyncset.done @!p0 $0x0  }
0x57: {  	[sflag:s0] =	ssyncadd.s32 @!p0 s1  }
0x58: {  	[bflag:$0x3] =	sbarrier.arrive $0xFFFF  }
0x59: {  	_ =	shalt  }

</sc_bundles>
